<compile_context>
chip_gen: v7x
topology: tpu7x:2x2x1
jax: 0.10.2.dev20260603
libtpu: 0.0.44.dev20260713+nightly
codegen_flags: <defaults>
</compile_context>

<pallas_src>
import functools
import jax
import jax.numpy as jnp
from jax import lax
from jax.experimental import pallas as pl
from jax.experimental.pallas import tpu as pltpu
from jax.experimental.pallas import tpu_sc as plsc

_BM = 512
_NC = 64
_NW = 32
_ROWS_W = 8192 // _NW


def _logits_kernel(x_ref, cemb_ref, w1_ref, b1_ref, w2_ref, b2_ref, out_ref):
    x = x_ref[...]
    cl = (((1,), (1,)), ((), ()))
    h = lax.dot_general(x, w1_ref[...], cl, preferred_element_type=jnp.float32)
    h = h + b1_ref[...]
    h = 0.5 * h * (1.0 + lax.erf(h * 0.7071067811865476))
    g = lax.dot_general(h, w2_ref[...], cl, preferred_element_type=jnp.float32)
    g = jax.nn.sigmoid(g + b2_ref[...])
    c = cemb_ref[...]
    cn = c * (1.0 / jnp.maximum(jnp.sqrt(jnp.sum(c * c, axis=1, keepdims=True)), 1e-12))
    xn = x * (1.0 / jnp.maximum(jnp.sqrt(jnp.sum(x * x, axis=1, keepdims=True)), 1e-12))
    logits = lax.dot_general(xn, cn, cl, preferred_element_type=jnp.float32) + g
    out_ref[...] = logits.T


def _route_sc(lt_hbm, wt_hbm, mt_hbm, slab, wbuf, mbuf):
    wid = lax.axis_index("s") * 2 + lax.axis_index("c")
    base = wid * _ROWS_W
    pltpu.sync_copy(lt_hbm.at[:, pl.ds(base, _ROWS_W)], slab)

    neg = jnp.full((16,), -jnp.inf, jnp.float32)
    none_i = jnp.full((16,), _NC, jnp.int32)

    def group_body(grp, _):
        off = grp * 16

        def scan_col(c, carry):
            v1, i1, v2, i2, v3, i3 = carry
            cc = jnp.full((16,), c, jnp.int32)
            v = slab[c, pl.ds(off, 16)]
            gt1 = v > v1
            gt2 = v > v2
            gt3 = v > v3
            nv1 = jnp.where(gt1, v, v1)
            ni1 = jnp.where(gt1, cc, i1)
            nv2 = jnp.where(gt1, v1, jnp.where(gt2, v, v2))
            ni2 = jnp.where(gt1, i1, jnp.where(gt2, cc, i2))
            nv3 = jnp.where(gt2, v2, jnp.where(gt3, v, v3))
            ni3 = jnp.where(gt2, i2, jnp.where(gt3, cc, i3))
            return nv1, ni1, nv2, ni2, nv3, ni3

        v1, i1, v2, i2, v3, i3 = lax.fori_loop(
            0, _NC, scan_col, (neg, none_i, neg, none_i, neg, none_i))

        def sum_col(c, s):
            v = slab[c, pl.ds(off, 16)]
            return s + jnp.exp(v - v1)

        s = lax.fori_loop(0, _NC, sum_col, jnp.zeros((16,), jnp.float32))
        rs = 1.0 / s

        def write_col(c, _):
            cc = jnp.full((16,), c, jnp.int32)
            v = slab[c, pl.ds(off, 16)]
            hit = (i1 == cc) | (i2 == cc) | (i3 == cc)
            wbuf[c, pl.ds(off, 16)] = jnp.where(hit, jnp.exp(v - v1) * rs, 0.0)
            mbuf[c, pl.ds(off, 16)] = jnp.where(hit, 1.0, 0.0)
            return 0

        lax.fori_loop(0, _NC, write_col, 0)
        return 0

    lax.fori_loop(0, _ROWS_W // 16, group_body, 0)
    pltpu.sync_copy(wbuf, wt_hbm.at[:, pl.ds(base, _ROWS_W)])
    pltpu.sync_copy(mbuf, mt_hbm.at[:, pl.ds(base, _ROWS_W)])


def kernel(x, col_emb, W1, b1, W2, b2):
    n, d = x.shape
    nc = col_emb.shape[0]
    hidden = W1.shape[0]
    grid = (n // _BM,)
    logits_t = pl.pallas_call(
        _logits_kernel,
        grid=grid,
        in_specs=[
            pl.BlockSpec((_BM, d), lambda i: (i, 0)),
            pl.BlockSpec((nc, d), lambda i: (0, 0)),
            pl.BlockSpec((hidden, d), lambda i: (0, 0)),
            pl.BlockSpec((1, hidden), lambda i: (0, 0)),
            pl.BlockSpec((nc, hidden), lambda i: (0, 0)),
            pl.BlockSpec((1, nc), lambda i: (0, 0)),
        ],
        out_specs=pl.BlockSpec((nc, _BM), lambda i: (0, i)),
        out_shape=jax.ShapeDtypeStruct((nc, n), jnp.float32),
    )(x, col_emb, W1, b1[None, :], W2, b2[None, :])

    route = functools.partial(
        pl.kernel,
        mesh=plsc.VectorSubcoreMesh(core_axis_name="c", subcore_axis_name="s"),
        out_type=[
            jax.ShapeDtypeStruct((nc, n), jnp.float32),
            jax.ShapeDtypeStruct((nc, n), jnp.float32),
        ],
        scratch_types=[
            pltpu.VMEM((_NC, _ROWS_W), jnp.float32),
            pltpu.VMEM((_NC, _ROWS_W), jnp.float32),
            pltpu.VMEM((_NC, _ROWS_W), jnp.float32),
        ],
    )(_route_sc)
    wt, mt = route(logits_t)
    return (wt.T, mt.T)

# --- scband reference (transcript-rebuilt; emitter-appended) ---
"""Pipeline reference for scband-column-router-26336739459350 (READ-ONLY COPY).

The authoritative reference and input builder live on the scoring server;
editing this copy changes nothing except your own understanding.
"""

import jax, jax.numpy as jnp
import numpy as np


def _l2_normalize(v, axis=-1, eps=1e-12):
    n = jnp.linalg.norm(v, axis=axis, keepdims=True)
    return v / jnp.maximum(n, eps)


def setup_inputs(seed: int = 0) -> dict:
    key = jax.random.key(seed)
    k1, k2, k3, k4, k5, k6 = jax.random.split(key, 6)
    input_dim = 2048
    num_columns = 64
    hidden = input_dim // 2
    x = jax.random.normal(k1, (8192, input_dim), dtype=jnp.float32)
    col_emb = jax.random.normal(k2, (num_columns, input_dim), dtype=jnp.float32) * 0.02
    # gate: Linear(input_dim, hidden) -> GELU -> Linear(hidden, num_columns) -> Sigmoid
    W1 = jax.random.normal(k3, (hidden, input_dim), dtype=jnp.float32) * (1.0 / np.sqrt(input_dim))
    b1 = jax.random.normal(k4, (hidden,), dtype=jnp.float32) * 0.01
    W2 = jax.random.normal(k5, (num_columns, hidden), dtype=jnp.float32) * (1.0 / np.sqrt(hidden))
    b2 = jax.random.normal(k6, (num_columns,), dtype=jnp.float32) * 0.01
    return {"x": x, "col_emb": col_emb, "W1": W1, "b1": b1, "W2": W2, "b2": b2}


def reference(x, col_emb, W1, b1, W2, b2):
    num_columns = col_emb.shape[0]
    sparsity = 0.05
    k = max(1, int(num_columns * sparsity))
    similarity = jnp.matmul(_l2_normalize(x, axis=-1), _l2_normalize(col_emb, axis=-1).T)
    h = jnp.matmul(x, W1.T) + b1
    h = jax.nn.gelu(h, approximate=False)
    gate_values = jax.nn.sigmoid(jnp.matmul(h, W2.T) + b2)
    logits = similarity + gate_values
    _, top_indices = jax.lax.top_k(logits, k)
    n_tok = logits.shape[0]
    mask = jnp.zeros_like(logits).at[jnp.arange(n_tok)[:, None], top_indices].set(1.0)
    weights = mask * jax.nn.softmax(logits, axis=-1)
    return (weights, (weights > 0).astype(jnp.float32))

if __name__ == "__main__":
    import jax
    _d = setup_inputs()
    print(jax.jit(kernel)(*tuple(_d.values())))

</pallas_src>

<mosaic_0001>
#map = affine_map<(d0, d1) -> (0, 0)>
module attributes {stable_mosaic.version = 14 : i64} {
  func.func @_route_sc(%arg0: i32, %arg1: i32, %arg2: memref<64x8192xf32, #tpu.memory_space<hbm>>, %arg3: memref<64x8192xf32, #tpu.memory_space<hbm>>, %arg4: memref<64x8192xf32, #tpu.memory_space<hbm>>, %arg5: memref<64x256xf32, #tpu.memory_space<vmem>>, %arg6: memref<64x256xf32, #tpu.memory_space<vmem>>, %arg7: memref<64x256xf32, #tpu.memory_space<vmem>>) attributes {dimension_semantics = [#tpu.dimension_semantics<core_parallel>, #tpu.dimension_semantics<subcore_parallel>], iteration_bounds = array<i64: 2, 16>, scalar_prefetch = 0 : i64, scratch_operands = 3 : i64, tpu.core_type = #tpu.core_type<sc_vector_subcore>, window_params = [{transform_indices = #map}, {transform_indices = #map}, {transform_indices = #map}]} {
    %mul3A = arith.constant 2 : i32
    %mul3A_0 = arith.muli %arg1, %mul3A : i32
    %add3A = arith.addi %mul3A_0, %arg0 : i32
    %mul3A_1 = arith.constant 256 : i32
    %mul3A_2 = arith.muli %add3A, %mul3A_1 : i32
    "tpu.region"() ({
      %run_scoped3A = tpu.sem_alloc : memref<!tpu.dma_semaphore, #tpu.memory_space<semaphore_mem>>
      %dma_start3A = arith.constant 0 : i32
      %dma_start3A_12 = tpu.memref_slice %arg2[%dma_start3A, %mul3A_2] : memref<64x8192xf32, #tpu.memory_space<hbm>> -> memref<64x256xf32, #tpu.memory_space<hbm>>
      %dma_start3A_13 = arith.constant 0 : i32
      %dma_start3A_14 = tpu.memref_slice %arg2[%dma_start3A_13, %mul3A_2] : memref<64x8192xf32, #tpu.memory_space<hbm>> -> memref<64x256xf32, #tpu.memory_space<hbm>>
      tpu.enqueue_dma source(%dma_start3A_14 : memref<64x256xf32, #tpu.memory_space<hbm>>) target(%arg5 : memref<64x256xf32, #tpu.memory_space<vmem>>) target_semaphore(%run_scoped3A : memref<!tpu.dma_semaphore, #tpu.memory_space<semaphore_mem>>)
      %dma_wait3A = arith.constant 0 : i32
      %dma_wait3A_15 = tpu.memref_slice %arg2[%dma_wait3A, %mul3A_2] : memref<64x8192xf32, #tpu.memory_space<hbm>> -> memref<64x256xf32, #tpu.memory_space<hbm>>
      %dma_wait3A_16 = arith.constant 0 : i32
      %dma_wait3A_17 = tpu.memref_slice %arg2[%dma_wait3A_16, %mul3A_2] : memref<64x8192xf32, #tpu.memory_space<hbm>> -> memref<64x256xf32, #tpu.memory_space<hbm>>
      tpu.wait_dma2 semaphore(%run_scoped3A : memref<!tpu.dma_semaphore, #tpu.memory_space<semaphore_mem>>) src(%dma_wait3A_17 : memref<64x256xf32, #tpu.memory_space<hbm>>) dst(%arg5 : memref<64x256xf32, #tpu.memory_space<vmem>>)
      tpu.yield
    }) : () -> ()
    %broadcast_in_dim3A = arith.constant 0xFF800000 : f32
    %broadcast_in_dim3A_3 = vector.broadcast %broadcast_in_dim3A : f32 to vector<16xf32>
    %broadcast_in_dim3A_4 = arith.constant 64 : i32
    %broadcast_in_dim3A_5 = vector.broadcast %broadcast_in_dim3A_4 : i32 to vector<16xi32>
    %scan3A = arith.constant 0 : i32
    %scan3A_6 = arith.constant 0 : i32
    %scan3A_7 = arith.constant 16 : i32
    %scan3A_8 = arith.addi %scan3A_6, %scan3A_7 : i32
    %scan3A_9 = arith.constant 1 : i32
    %scan3A_10 = scf.for %scan3A_12 = %scan3A_6 to %scan3A_8 step %scan3A_9 iter_args(%scan3A_13 = %scan3A) -> (i32)  : i32 {
      %mul3A_14 = arith.constant 16 : i32
      %mul3A_15 = arith.muli %scan3A_12, %mul3A_14 : i32
      %scan3A_16 = arith.constant 0 : i32
      %scan3A_17 = arith.constant 64 : i32
      %scan3A_18 = arith.addi %scan3A_16, %scan3A_17 : i32
      %scan3A_19 = arith.constant 1 : i32
      %scan3A_20:6 = scf.for %scan3A_40 = %scan3A_16 to %scan3A_18 step %scan3A_19 iter_args(%scan3A_41 = %broadcast_in_dim3A_3, %scan3A_42 = %broadcast_in_dim3A_5, %scan3A_43 = %broadcast_in_dim3A_3, %scan3A_44 = %broadcast_in_dim3A_5, %scan3A_45 = %broadcast_in_dim3A_3, %scan3A_46 = %broadcast_in_dim3A_5) -> (vector<16xf32>, vector<16xi32>, vector<16xf32>, vector<16xi32>, vector<16xf32>, vector<16xi32>)  : i32 {
        %broadcast_in_dim3A_47 = vector.broadcast %scan3A_40 : i32 to vector<16xi32>
        %get3A = arith.index_cast %scan3A_40 : i32 to index
        %get3A_48 = arith.index_cast %mul3A_15 : i32 to index
        %get3A_49 = tpu.vector_load %arg5[%get3A, %get3A_48] {strides = array<i32>} : memref<64x256xf32, #tpu.memory_space<vmem>>, vector<1x16xf32>,
        %get3A_50 = vector.shape_cast %get3A_49 : vector<1x16xf32> to vector<16xf32>
        %gt3A = arith.cmpf ogt, %get3A_50, %scan3A_41 : vector<16xf32>
        %gt3A_51 = arith.cmpf ogt, %get3A_50, %scan3A_43 : vector<16xf32>
        %gt3A_52 = arith.cmpf ogt, %get3A_50, %scan3A_45 : vector<16xf32>
        %select_n3A = arith.select %gt3A, %get3A_50, %scan3A_41 : vector<16xi1>, vector<16xf32>
        %select_n3A_53 = arith.select %gt3A, %broadcast_in_dim3A_47, %scan3A_42 : vector<16xi1>, vector<16xi32>
        %select_n3A_54 = arith.select %gt3A_51, %get3A_50, %scan3A_43 : vector<16xi1>, vector<16xf32>
        %select_n3A_55 = arith.select %gt3A, %scan3A_41, %select_n3A_54 : vector<16xi1>, vector<16xf32>
        %select_n3A_56 = arith.select %gt3A_51, %broadcast_in_dim3A_47, %scan3A_44 : vector<16xi1>, vector<16xi32>
        %select_n3A_57 = arith.select %gt3A, %scan3A_42, %select_n3A_56 : vector<16xi1>, vector<16xi32>
        %select_n3A_58 = arith.select %gt3A_52, %get3A_50, %scan3A_45 : vector<16xi1>, vector<16xf32>
        %select_n3A_59 = arith.select %gt3A_51, %scan3A_43, %select_n3A_58 : vector<16xi1>, vector<16xf32>
        %select_n3A_60 = arith.select %gt3A_52, %broadcast_in_dim3A_47, %scan3A_46 : vector<16xi1>, vector<16xi32>
        %select_n3A_61 = arith.select %gt3A_51, %scan3A_44, %select_n3A_60 : vector<16xi1>, vector<16xi32>
        scf.yield %select_n3A, %select_n3A_53, %select_n3A_55, %select_n3A_57, %select_n3A_59, %select_n3A_61 : vector<16xf32>, vector<16xi32>, vector<16xf32>, vector<16xi32>, vector<16xf32>, vector<16xi32>
      }
      %scan3A_21 = arith.constant 64 : i32
      %broadcast_in_dim3A_22 = arith.constant 0.000000e+00 : f32
      %broadcast_in_dim3A_23 = vector.broadcast %broadcast_in_dim3A_22 : f32 to vector<16xf32>
      %scan3A_24 = arith.constant 0 : i32
      %scan3A_25 = arith.constant 64 : i32
      %scan3A_26 = arith.addi %scan3A_24, %scan3A_25 : i32
      %scan3A_27 = arith.constant 1 : i32
      %scan3A_28 = scf.for %scan3A_40 = %scan3A_24 to %scan3A_26 step %scan3A_27 iter_args(%scan3A_41 = %broadcast_in_dim3A_23) -> (vector<16xf32>)  : i32 {
        %get3A = arith.index_cast %scan3A_40 : i32 to index
        %get3A_42 = arith.index_cast %mul3A_15 : i32 to index
        %get3A_43 = tpu.vector_load %arg5[%get3A, %get3A_42] {strides = array<i32>} : memref<64x256xf32, #tpu.memory_space<vmem>>, vector<1x16xf32>,
        %get3A_44 = vector.shape_cast %get3A_43 : vector<1x16xf32> to vector<16xf32>
        %sub3A = arith.subf %get3A_44, %scan3A_20#0 : vector<16xf32>
        %exp3A = math.exp %sub3A : vector<16xf32>
        %add3A_45 = arith.addf %scan3A_41, %exp3A : vector<16xf32>
        scf.yield %add3A_45 : vector<16xf32>
      }
      %scan3A_29 = arith.constant 64 : i32
      %div3A = arith.constant 1.000000e+00 : f32
      %div3A_30 = vector.broadcast %div3A : f32 to vector<16xf32>
      %div3A_31 = arith.divf %div3A_30, %scan3A_28 : vector<16xf32>
      %scan3A_32 = arith.constant 0 : i32
      %scan3A_33 = arith.constant 0 : i32
      %scan3A_34 = arith.constant 64 : i32
      %scan3A_35 = arith.addi %scan3A_33, %scan3A_34 : i32
      %scan3A_36 = arith.constant 1 : i32
      %scan3A_37 = scf.for %scan3A_40 = %scan3A_33 to %scan3A_35 step %scan3A_36 iter_args(%scan3A_41 = %scan3A_32) -> (i32)  : i32 {
        %broadcast_in_dim3A_42 = vector.broadcast %scan3A_40 : i32 to vector<16xi32>
        %get3A = arith.index_cast %scan3A_40 : i32 to index
        %get3A_43 = arith.index_cast %mul3A_15 : i32 to index
        %get3A_44 = tpu.vector_load %arg5[%get3A, %get3A_43] {strides = array<i32>} : memref<64x256xf32, #tpu.memory_space<vmem>>, vector<1x16xf32>,
        %get3A_45 = vector.shape_cast %get3A_44 : vector<1x16xf32> to vector<16xf32>
        %eq3A = arith.cmpi eq, %scan3A_20#1, %broadcast_in_dim3A_42 : vector<16xi32>
        %eq3A_46 = arith.cmpi eq, %scan3A_20#3, %broadcast_in_dim3A_42 : vector<16xi32>
        %or3A = arith.ori %eq3A, %eq3A_46 : vector<16xi1>
        %eq3A_47 = arith.cmpi eq, %scan3A_20#5, %broadcast_in_dim3A_42 : vector<16xi32>
        %or3A_48 = arith.ori %or3A, %eq3A_47 : vector<16xi1>
        %sub3A = arith.subf %get3A_45, %scan3A_20#0 : vector<16xf32>
        %exp3A = math.exp %sub3A : vector<16xf32>
        %mul3A_49 = arith.mulf %exp3A, %div3A_31 : vector<16xf32>
        %jit3A = arith.constant 0.000000e+00 : f32
        %broadcast_in_dim3A_50 = vector.broadcast %jit3A : f32 to vector<16xf32>
        %select_n3A = arith.select %or3A_48, %mul3A_49, %broadcast_in_dim3A_50 : vector<16xi1>, vector<16xf32>
        %swap3A = arith.index_cast %scan3A_40 : i32 to index
        %swap3A_51 = arith.index_cast %mul3A_15 : i32 to index
        %swap3A_52 = tpu.vector_load %arg6[%swap3A, %swap3A_51] {strides = array<i32>} : memref<64x256xf32, #tpu.memory_space<vmem>>, vector<1x16xf32>,
        %swap3A_53 = vector.shape_cast %swap3A_52 : vector<1x16xf32> to vector<16xf32>
        %swap3A_54 = vector.shape_cast %select_n3A : vector<16xf32> to vector<1x16xf32>
        tpu.vector_store %arg6[%swap3A, %swap3A_51], %swap3A_54 {strides = array<i32>} : memref<64x256xf32, #tpu.memory_space<vmem>>, vector<1x16xf32>,
        %jit3A_55 = arith.constant 1.000000e+00 : f32
        %jit3A_56 = arith.constant 0.000000e+00 : f32
        %broadcast_in_dim3A_57 = vector.broadcast %jit3A_55 : f32 to vector<16xf32>
        %broadcast_in_dim3A_58 = vector.broadcast %jit3A_56 : f32 to vector<16xf32>
        %select_n3A_59 = arith.select %or3A_48, %broadcast_in_dim3A_57, %broadcast_in_dim3A_58 : vector<16xi1>, vector<16xf32>
        %swap3A_60 = arith.index_cast %scan3A_40 : i32 to index
        %swap3A_61 = arith.index_cast %mul3A_15 : i32 to index
        %swap3A_62 = tpu.vector_load %arg7[%swap3A_60, %swap3A_61] {strides = array<i32>} : memref<64x256xf32, #tpu.memory_space<vmem>>, vector<1x16xf32>,
        %swap3A_63 = vector.shape_cast %swap3A_62 : vector<1x16xf32> to vector<16xf32>
        %swap3A_64 = vector.shape_cast %select_n3A_59 : vector<16xf32> to vector<1x16xf32>
        tpu.vector_store %arg7[%swap3A_60, %swap3A_61], %swap3A_64 {strides = array<i32>} : memref<64x256xf32, #tpu.memory_space<vmem>>, vector<1x16xf32>,
        %scan3A_65 = arith.constant 0 : i32
        scf.yield %scan3A_65 : i32
      }
      %scan3A_38 = arith.constant 64 : i32
      %scan3A_39 = arith.constant 0 : i32
      scf.yield %scan3A_39 : i32
    }
    %scan3A_11 = arith.constant 16 : i32
    "tpu.region"() ({
      %run_scoped3A = tpu.sem_alloc : memref<!tpu.dma_semaphore, #tpu.memory_space<semaphore_mem>>
      %dma_start3A = arith.constant 0 : i32
      %dma_start3A_12 = tpu.memref_slice %arg3[%dma_start3A, %mul3A_2] : memref<64x8192xf32, #tpu.memory_space<hbm>> -> memref<64x256xf32, #tpu.memory_space<hbm>>
      %dma_start3A_13 = arith.constant 0 : i32
      %dma_start3A_14 = tpu.memref_slice %arg3[%dma_start3A_13, %mul3A_2] : memref<64x8192xf32, #tpu.memory_space<hbm>> -> memref<64x256xf32, #tpu.memory_space<hbm>>
      tpu.enqueue_dma source(%arg6 : memref<64x256xf32, #tpu.memory_space<vmem>>) target(%dma_start3A_14 : memref<64x256xf32, #tpu.memory_space<hbm>>) target_semaphore(%run_scoped3A : memref<!tpu.dma_semaphore, #tpu.memory_space<semaphore_mem>>)
      %dma_wait3A = arith.constant 0 : i32
      %dma_wait3A_15 = tpu.memref_slice %arg3[%dma_wait3A, %mul3A_2] : memref<64x8192xf32, #tpu.memory_space<hbm>> -> memref<64x256xf32, #tpu.memory_space<hbm>>
      %dma_wait3A_16 = arith.constant 0 : i32
      %dma_wait3A_17 = tpu.memref_slice %arg3[%dma_wait3A_16, %mul3A_2] : memref<64x8192xf32, #tpu.memory_space<hbm>> -> memref<64x256xf32, #tpu.memory_space<hbm>>
      tpu.wait_dma2 semaphore(%run_scoped3A : memref<!tpu.dma_semaphore, #tpu.memory_space<semaphore_mem>>) src(%arg6 : memref<64x256xf32, #tpu.memory_space<vmem>>) dst(%dma_wait3A_17 : memref<64x256xf32, #tpu.memory_space<hbm>>)
      tpu.yield
    }) : () -> ()
    "tpu.region"() ({
      %run_scoped3A = tpu.sem_alloc : memref<!tpu.dma_semaphore, #tpu.memory_space<semaphore_mem>>
      %dma_start3A = arith.constant 0 : i32
      %dma_start3A_12 = tpu.memref_slice %arg4[%dma_start3A, %mul3A_2] : memref<64x8192xf32, #tpu.memory_space<hbm>> -> memref<64x256xf32, #tpu.memory_space<hbm>>
      %dma_start3A_13 = arith.constant 0 : i32
      %dma_start3A_14 = tpu.memref_slice %arg4[%dma_start3A_13, %mul3A_2] : memref<64x8192xf32, #tpu.memory_space<hbm>> -> memref<64x256xf32, #tpu.memory_space<hbm>>
      tpu.enqueue_dma source(%arg7 : memref<64x256xf32, #tpu.memory_space<vmem>>) target(%dma_start3A_14 : memref<64x256xf32, #tpu.memory_space<hbm>>) target_semaphore(%run_scoped3A : memref<!tpu.dma_semaphore, #tpu.memory_space<semaphore_mem>>)
      %dma_wait3A = arith.constant 0 : i32
      %dma_wait3A_15 = tpu.memref_slice %arg4[%dma_wait3A, %mul3A_2] : memref<64x8192xf32, #tpu.memory_space<hbm>> -> memref<64x256xf32, #tpu.memory_space<hbm>>
      %dma_wait3A_16 = arith.constant 0 : i32
      %dma_wait3A_17 = tpu.memref_slice %arg4[%dma_wait3A_16, %mul3A_2] : memref<64x8192xf32, #tpu.memory_space<hbm>> -> memref<64x256xf32, #tpu.memory_space<hbm>>
      tpu.wait_dma2 semaphore(%run_scoped3A : memref<!tpu.dma_semaphore, #tpu.memory_space<semaphore_mem>>) src(%arg7 : memref<64x256xf32, #tpu.memory_space<vmem>>) dst(%dma_wait3A_17 : memref<64x256xf32, #tpu.memory_space<hbm>>)
      tpu.yield
    }) : () -> ()
    return
  }
}

module attributes {stable_mosaic.version = 14 : i64} {
  func.func @_logits_kernel(%arg0: i32, %arg1: memref<512x2048xf32, #tpu.memory_space<vmem>>, %arg2: memref<64x2048xf32, #tpu.memory_space<vmem>>, %arg3: memref<1024x2048xf32, #tpu.memory_space<vmem>>, %arg4: memref<1x1024xf32, #tpu.memory_space<vmem>>, %arg5: memref<64x1024xf32, #tpu.memory_space<vmem>>, %arg6: memref<1x64xf32, #tpu.memory_space<vmem>>, %arg7: memref<64x512xf32, #tpu.memory_space<vmem>>) attributes {dimension_semantics = [#tpu.dimension_semantics<arbitrary>], iteration_bounds = array<i64: 16>, scalar_prefetch = 0 : i64, scratch_operands = 0 : i64, tpu.core_type = #tpu.core_type<tc>, window_params = [{transform_indices = @transform_0, window_bounds = array<i64: 512, 2048>}, {pipeline_mode = #tpu.pipeline_mode<synchronous>, transform_indices = @transform_1, window_bounds = array<i64: 64, 2048>}, {pipeline_mode = #tpu.pipeline_mode<synchronous>, transform_indices = @transform_2, window_bounds = array<i64: 1024, 2048>}, {pipeline_mode = #tpu.pipeline_mode<synchronous>, transform_indices = @transform_3, window_bounds = array<i64: 1, 1024>}, {pipeline_mode = #tpu.pipeline_mode<synchronous>, transform_indices = @transform_4, window_bounds = array<i64: 64, 1024>}, {pipeline_mode = #tpu.pipeline_mode<synchronous>, transform_indices = @transform_5, window_bounds = array<i64: 1, 64>}, {transform_indices = @transform_6, window_bounds = array<i64: 64, 512>}]} {
    %get3A = arith.constant 0 : index
    %get3A_0 = arith.constant 0 : index
    %get3A_1 = vector.load %arg1[%get3A, %get3A_0] : memref<512x2048xf32, #tpu.memory_space<vmem>>, vector<512x2048xf32>
    %get3A_2 = arith.constant 0 : index
    %get3A_3 = arith.constant 0 : index
    %get3A_4 = vector.load %arg3[%get3A_2, %get3A_3] : memref<1024x2048xf32, #tpu.memory_space<vmem>>, vector<1024x2048xf32>
    %dot_general3A = arith.constant dense<0.000000e+00> : vector<512x1024xf32>
    %dot_general3A_5 = tpu.matmul %get3A_1, %get3A_4, %dot_general3A {dimension_numbers = #tpu.dot_dimension_numbers<[1], [1], [0], [0], [0, 0, 1, 0], [], []>, transpose_lhs_hint = false} : vector<512x2048xf32>, vector<1024x2048xf32>, vector<512x1024xf32> -> vector<512x1024xf32>
    %get3A_6 = arith.constant 0 : index
    %get3A_7 = arith.constant 0 : index
    %get3A_8 = vector.load %arg4[%get3A_6, %get3A_7] : memref<1x1024xf32, #tpu.memory_space<vmem>>, vector<1x1024xf32>
    %add3A = vector.broadcast %get3A_8 : vector<1x1024xf32> to vector<512x1024xf32>
    %add3A_9 = arith.addf %dot_general3A_5, %add3A : vector<512x1024xf32>
    %mul3A = arith.constant 5.000000e-01 : f32
    %mul3A_10 = vector.broadcast %mul3A : f32 to vector<512x1024xf32>
    %mul3A_11 = arith.mulf %mul3A_10, %add3A_9 : vector<512x1024xf32>
    %mul3A_12 = arith.constant 0.707106769 : f32
    %mul3A_13 = vector.broadcast %mul3A_12 : f32 to vector<512x1024xf32>
    %mul3A_14 = arith.mulf %add3A_9, %mul3A_13 : vector<512x1024xf32>
    %erf3A = math.erf %mul3A_14 : vector<512x1024xf32>
    %add3A_15 = arith.constant 1.000000e+00 : f32
    %add3A_16 = vector.broadcast %add3A_15 : f32 to vector<512x1024xf32>
    %add3A_17 = arith.addf %add3A_16, %erf3A : vector<512x1024xf32>
    %mul3A_18 = arith.mulf %mul3A_11, %add3A_17 : vector<512x1024xf32>
    %get3A_19 = arith.constant 0 : index
    %get3A_20 = arith.constant 0 : index
    %get3A_21 = vector.load %arg5[%get3A_19, %get3A_20] : memref<64x1024xf32, #tpu.memory_space<vmem>>, vector<64x1024xf32>
    %dot_general3A_22 = arith.constant dense<0.000000e+00> : vector<512x64xf32>
    %dot_general3A_23 = tpu.matmul %mul3A_18, %get3A_21, %dot_general3A_22 {dimension_numbers = #tpu.dot_dimension_numbers<[1], [1], [0], [0], [0, 0, 1, 0], [], []>, transpose_lhs_hint = false} : vector<512x1024xf32>, vector<64x1024xf32>, vector<512x64xf32> -> vector<512x64xf32>
    %get3A_24 = arith.constant 0 : index
    %get3A_25 = arith.constant 0 : index
    %get3A_26 = vector.load %arg6[%get3A_24, %get3A_25] : memref<1x64xf32, #tpu.memory_space<vmem>>, vector<1x64xf32>
    %add3A_27 = vector.broadcast %get3A_26 : vector<1x64xf32> to vector<512x64xf32>
    %add3A_28 = arith.addf %dot_general3A_23, %add3A_27 : vector<512x64xf32>
    %logistic3A = arith.negf %add3A_28 : vector<512x64xf32>
    %logistic3A_29 = math.exp %logistic3A : vector<512x64xf32>
    %logistic3A_30 = arith.constant 1.000000e+00 : f32
    %logistic3A_31 = vector.broadcast %logistic3A_30 : f32 to vector<512x64xf32>
    %logistic3A_32 = arith.addf %logistic3A_31, %logistic3A_29 : vector<512x64xf32>
    %logistic3A_33 = arith.divf %logistic3A_31, %logistic3A_32 : vector<512x64xf32>
    %get3A_34 = arith.constant 0 : index
    %get3A_35 = arith.constant 0 : index
    %get3A_36 = vector.load %arg2[%get3A_34, %get3A_35] : memref<64x2048xf32, #tpu.memory_space<vmem>>, vector<64x2048xf32>
    %mul3A_37 = arith.mulf %get3A_36, %get3A_36 : vector<64x2048xf32>
    %reduce_sum3A = arith.constant dense<0.000000e+00> : vector<64xf32>
    %reduce_sum3A_38 = vector.multi_reduction <add>, %mul3A_37, %reduce_sum3A [1] : vector<64x2048xf32> to vector<64xf32>
    %broadcast_in_dim3A = vector.shape_cast %reduce_sum3A_38 : vector<64xf32> to vector<64x1xf32>
    %sqrt3A = math.sqrt %broadcast_in_dim3A : vector<64x1xf32>
    %max3A = arith.constant 9.99999996E-13 : f32
    %max3A_39 = vector.broadcast %max3A : f32 to vector<64x1xf32>
    %max3A_40 = arith.maximumf %sqrt3A, %max3A_39 : vector<64x1xf32>
    %div3A = arith.constant 1.000000e+00 : f32
    %div3A_41 = vector.broadcast %div3A : f32 to vector<64x1xf32>
    %div3A_42 = arith.divf %div3A_41, %max3A_40 : vector<64x1xf32>
    %mul3A_43 = vector.broadcast %div3A_42 : vector<64x1xf32> to vector<64x2048xf32>
    %mul3A_44 = arith.mulf %get3A_36, %mul3A_43 : vector<64x2048xf32>
    %mul3A_45 = arith.mulf %get3A_1, %get3A_1 : vector<512x2048xf32>
    %reduce_sum3A_46 = arith.constant dense<0.000000e+00> : vector<512xf32>
    %reduce_sum3A_47 = vector.multi_reduction <add>, %mul3A_45, %reduce_sum3A_46 [1] : vector<512x2048xf32> to vector<512xf32>
    %broadcast_in_dim3A_48 = vector.shape_cast %reduce_sum3A_47 : vector<512xf32> to vector<512x1xf32>
    %sqrt3A_49 = math.sqrt %broadcast_in_dim3A_48 : vector<512x1xf32>
    %max3A_50 = arith.constant 9.99999996E-13 : f32
    %max3A_51 = vector.broadcast %max3A_50 : f32 to vector<512x1xf32>
    %max3A_52 = arith.maximumf %sqrt3A_49, %max3A_51 : vector<512x1xf32>
    %div3A_53 = arith.constant 1.000000e+00 : f32
    %div3A_54 = vector.broadcast %div3A_53 : f32 to vector<512x1xf32>
    %div3A_55 = arith.divf %div3A_54, %max3A_52 : vector<512x1xf32>
    %mul3A_56 = vector.broadcast %div3A_55 : vector<512x1xf32> to vector<512x2048xf32>
    %mul3A_57 = arith.mulf %get3A_1, %mul3A_56 : vector<512x2048xf32>
    %dot_general3A_58 = arith.constant dense<0.000000e+00> : vector<512x64xf32>
    %dot_general3A_59 = tpu.matmul %mul3A_57, %mul3A_44, %dot_general3A_58 {dimension_numbers = #tpu.dot_dimension_numbers<[1], [1], [0], [0], [0, 0, 1, 0], [], []>, transpose_lhs_hint = false} : vector<512x2048xf32>, vector<64x2048xf32>, vector<512x64xf32> -> vector<512x64xf32>
    %add3A_60 = arith.addf %dot_general3A_59, %logistic3A_33 : vector<512x64xf32>
    %transpose3A = tpu.transpose %add3A_60, [1, 0] : vector<512x64xf32> -> vector<64x512xf32>
    %swap3A = arith.constant 0 : index
    %swap3A_61 = arith.constant 0 : index
    %swap3A_62 = vector.load %arg7[%swap3A, %swap3A_61] : memref<64x512xf32, #tpu.memory_space<vmem>>, vector<64x512xf32>
    tpu.vector_store %arg7[%swap3A, %swap3A_61], %transpose3A {strides = array<i32>} : memref<64x512xf32, #tpu.memory_space<vmem>>, vector<64x512xf32>,
    return
  }
  func.func @transform_0(%arg0: i32) -> (i32, i32) {
    %c0_i32 = arith.constant 0 : i32
    %c0_i32_0 = arith.constant 0 : i32
    return %arg0, %c0_i32 : i32, i32
  }
  func.func @transform_1(%arg0: i32) -> (i32, i32) {
    %c0_i32 = arith.constant 0 : i32
    %c0_i32_0 = arith.constant 0 : i32
    %c0_i32_1 = arith.constant 0 : i32
    return %c0_i32, %c0_i32_0 : i32, i32
  }
  func.func @transform_2(%arg0: i32) -> (i32, i32) {
    %c0_i32 = arith.constant 0 : i32
    %c0_i32_0 = arith.constant 0 : i32
    %c0_i32_1 = arith.constant 0 : i32
    return %c0_i32, %c0_i32_0 : i32, i32
  }
  func.func @transform_3(%arg0: i32) -> (i32, i32) {
    %c0_i32 = arith.constant 0 : i32
    %c0_i32_0 = arith.constant 0 : i32
    %c0_i32_1 = arith.constant 0 : i32
    return %c0_i32, %c0_i32_0 : i32, i32
  }
  func.func @transform_4(%arg0: i32) -> (i32, i32) {
    %c0_i32 = arith.constant 0 : i32
    %c0_i32_0 = arith.constant 0 : i32
    %c0_i32_1 = arith.constant 0 : i32
    return %c0_i32, %c0_i32_0 : i32, i32
  }
  func.func @transform_5(%arg0: i32) -> (i32, i32) {
    %c0_i32 = arith.constant 0 : i32
    %c0_i32_0 = arith.constant 0 : i32
    %c0_i32_1 = arith.constant 0 : i32
    return %c0_i32, %c0_i32_0 : i32, i32
  }
  func.func @transform_6(%arg0: i32) -> (i32, i32) {
    %c0_i32 = arith.constant 0 : i32
    %c0_i32_0 = arith.constant 0 : i32
    return %c0_i32, %arg0 : i32, i32
  }
}

</mosaic_0001>

<sc_bundles>
// kernel: kernel.4.cloned.1.call-start
scs
__scs_entry_jumppad:
0x0: {  	(pc) =	sbr.rel $0x88, $3  }
0x1: {  	(tag) =	ssettag $0x0;
	lr =	simm.s32 $0x1  }
0x2: {  	[smem:$0x3F9B] =	sst lr;
	_ =	strace $0xD0000000  }
0x3: {  	_ = 	snop  }
0x4: {  	_ = 	snop  }
0x5: {  	_ = 	snop  }
0x6: {  	_ = 	snop  }
0x7: {  	_ = 	snop  }
__scs_overlays_trampoline_lowered:
0x8: {  	[smem:$0x3FAA] =	sst s0  }
0x9: {  	[smem:$0x3FAB] =	sst s1  }
0xa: {  	[smem:$0x3FAC] =	sst s2  }
0xb: {  	[smem:$0x3FAD] =	sst s3  }
0xc: {  	[smem:$0x3FAE] =	sst s4  }
0xd: {  	[smem:$0x3FAF] =	sst s5  }
0xe: {  	[smem:$0x3FB0] =	sst s6  }
0xf: {  	[smem:$0x3FB1] =	sst s7  }
0x10: {  	[smem:$0x3FB2] =	sst s8  }
0x11: {  	[smem:$0x3FB3] =	sst s9;
	s0 =	simm.s32 @!p0 $0x0  }
0x12: {  	s1 =	sld [smem:$0x3F99];
	s0 =	simm.s32 @p0 $0x1  }
0x13: {  	[smem:$0x3FB4] =	sst s0;
	s0 =	simm.s32 @!p1 $0x0  }
0x14: {  	s2 =	sld [smem:$0x3F98];
	s0 =	simm.s32 @p1 $0x1  }
0x15: {  	[smem:$0x3FB5] =	sst s0;
	s0 =	simm.s32 @!p2 $0x0  }
0x16: {  	s3 =	sld [smem:$0x3FDB];
	s0 =	simm.s32 @p2 $0x1  }
0x17: {  	s4 =	simm.s32 $0x1BF5;
	[smem:$0x3FB7] =	sst s0  }
0x18: {  	s0 =	sld [smem:$0x3F9A];
	_ =	swait.ge [sflag:s4], $0x0  }
0x19: {  	s7 =	sld [smem:$0x3F9B]  }
0x1a: {  	s8 =	sadd.s32 $0xFFFFE003, lr  }
0x1b: {  	s9 =	sadd.s32 $0xFFFFFEF7, lr;
	s5 =	simm.s32 $0xFFFFFFFF;
	p2 =	slt.u32 s8, $0xFFFFF086  }
0x1c: {  	p1 =	slt.u32 s9, $0xF7A;
	s5 =	simm.s32 @!p2 $0x0  }
0x1d: {  	s5 =	simm.s32 @p1 $0x1;
	p0 =	seq.s32 s7, s2  }
0x1e: {  	s7 =	smul.u32 @!p0 $0xF7A, s2;
	p2 =	seq.s32 @!p0 s5, $0x0  }
0x1f: {  	s9 =	smul.u32 $0xF7A, s1;
	s8 =	simm.s32 @!p0 $0x1BF5;
	p2 =	por !p2, p0  }
0x20: {  	[sflag:s8] =	ssyncset.s32 @!p0 $0xFFFFF086;
	s6 =	sadd.s32 @!p0 s3, s7;
	s7 =	simm.s32 @!p0 $0x108  }
0x21: {  	s3 =	sadd.s32 s3, s9;
	s6 =	sadd.s32 @!p0 $0x88, s6;
	s7 =	simm.s32 @p2 $0x1082  }
0x22: {  	[simem:s7], [sflag:s8] =	dma.local @!p0 [hbm:s6], $0xF7A  }
0x23: {  	s9 =	sor.u32 $0xD0000000, s2;
	s6 =	simm.s32 $0x108;
	_ =	swait.ge @!p0 [sflag:s8], $0x0  }
0x24: {  	s3 =	sadd.s32 $0x88, s3;
	s6 =	simm.s32 @!p1 $0x1082;
	[sflag:s4] =	ssyncset.s32 $0xFFFFF086  }
0x25: {  	[simem:s6], [sflag:s4] =	dma.local [hbm:s3], $0xF7A  }
0x26: {  	[smem:$0x3F9B] =	sst s1;
	(tag) =	ssettag s2;
	_ =	strace s9  }
0x27: {  	s1 =	sld [smem:$0x3FAB]  }
0x28: {  	s2 =	sld [smem:$0x3FAC]  }
0x29: {  	s4 =	sld [smem:$0x3FAE]  }
0x2a: {  	p0 =	seq.s32 s5, $0x0;
	s5 =	sld [smem:$0x3FAF]  }
0x2b: {  	s6 =	sld [smem:$0x3FB0]  }
0x2c: {  	s7 =	sld [smem:$0x3FB1]  }
0x2d: {  	s3 =	simm.s32 $0x108;
	s8 =	sld [smem:$0x3FB2]  }
0x2e: {  	s3 =	simm.s32 @!p0 $0x1082;
	s9 =	sld [smem:$0x3FB3]  }
0x2f: {  	lr =	sadd.s32 s0, s3;
	s0 =	sld [smem:$0x3FAA]  }
0x30: {  	s3 =	sld [smem:$0x3FAD]  }
0x31: {  	[smem:$0x3FB6] =	sst s10  }
0x32: {  	s10 =	sld [smem:$0x3FB4];
	_ =	sdelay $0x3  }
0x33: {  	p0 =	seq.s32 s10, $0x1;
	s10 =	sld [smem:$0x3FB6];
	_ =	sdelay $0x3  }
0x34: {  	[smem:$0x3FB6] =	sst s10  }
0x35: {  	s10 =	sld [smem:$0x3FB5];
	_ =	sdelay $0x3  }
0x36: {  	p1 =	seq.s32 s10, $0x1;
	s10 =	sld [smem:$0x3FB6];
	_ =	sdelay $0x3  }
0x37: {  	[smem:$0x3FB6] =	sst s10  }
0x38: {  	s10 =	sld [smem:$0x3FB7]  }
0x39: {  	_ = 	snop;
	(pc) =	sbr.ind lr, $3  }
0x3a: {  	_ = 	snop  }
0x3b: {  	_ = 	snop  }
0x3c: {  	p2 =	seq.s32 s10, $0x1;
	s10 =	sld [smem:$0x3FB6]  }
0x3d: {  	_ =	shalt  }
0x3e: {  	_ =	shalt  }
0x3f: {  	_ =	shalt  }
0x40: {  	_ =	shalt  }
0x41: {  	_ =	shalt  }
0x42: {  	_ =	shalt  }
0x43: {  	_ =	shalt  }
0x44: {  	_ =	shalt  }
0x45: {  	_ =	shalt  }
0x46: {  	_ =	shalt  }
0x47: {  	_ =	shalt  }
0x48: {  	_ =	shalt  }
0x49: {  	_ =	shalt  }
0x4a: {  	_ =	shalt  }
0x4b: {  	_ =	shalt  }
0x4c: {  	_ =	shalt  }
0x4d: {  	_ =	shalt  }
0x4e: {  	_ =	shalt  }
0x4f: {  	_ =	shalt  }
0x50: {  	_ =	shalt  }
0x51: {  	_ =	shalt  }
0x52: {  	_ =	shalt  }
0x53: {  	_ =	shalt  }
0x54: {  	_ =	shalt  }
0x55: {  	_ =	shalt  }
0x56: {  	_ =	shalt  }
0x57: {  	_ =	shalt  }
0x58: {  	_ =	shalt  }
0x59: {  	_ =	shalt  }
0x5a: {  	_ =	shalt  }
0x5b: {  	_ =	shalt  }
0x5c: {  	_ =	shalt  }
0x5d: {  	_ =	shalt  }
0x5e: {  	_ =	shalt  }
0x5f: {  	_ =	shalt  }
0x60: {  	_ =	shalt  }
0x61: {  	_ =	shalt  }
0x62: {  	_ =	shalt  }
0x63: {  	_ =	shalt  }
0x64: {  	_ =	shalt  }
0x65: {  	_ =	shalt  }
0x66: {  	_ =	shalt  }
0x67: {  	_ =	shalt  }
0x68: {  	_ =	shalt  }
0x69: {  	_ =	shalt  }
0x6a: {  	_ =	shalt  }
0x6b: {  	_ =	shalt  }
0x6c: {  	_ =	shalt  }
0x6d: {  	_ =	shalt  }
0x6e: {  	_ =	shalt  }
0x6f: {  	_ =	shalt  }
0x70: {  	_ =	shalt  }
0x71: {  	_ =	shalt  }
0x72: {  	_ =	shalt  }
0x73: {  	_ =	shalt  }
0x74: {  	_ =	shalt  }
0x75: {  	_ =	shalt  }
0x76: {  	_ =	shalt  }
0x77: {  	_ =	shalt  }
0x78: {  	_ =	shalt  }
0x79: {  	_ =	shalt  }
0x7a: {  	_ =	shalt  }
0x7b: {  	_ =	shalt  }
0x7c: {  	_ =	shalt  }
0x7d: {  	_ =	shalt  }
0x7e: {  	_ =	shalt  }
0x7f: {  	_ =	shalt  }
0x80: {  	_ =	shalt  }
0x81: {  	_ =	shalt  }
0x82: {  	_ =	shalt  }
0x83: {  	_ =	shalt  }
0x84: {  	_ =	shalt  }
0x85: {  	_ =	shalt  }
0x86: {  	_ =	shalt  }
0x87: {  	_ =	shalt  }
.Lfunc_end0:
.L_simem_size_0:
called_computation_lowered:
.L_overlay_start_0:
0x88: {  	s2 =	sld [smem:$0x3FD9]  }
0x89: {  	s3 =	sld [smem:$0x3FFE];
	_ =	sdelay $0x1  }
0x8a: {  	s1 =	srdreg.scid  }
0x8b: {  	s0 =	sand.u32 $0x1, s1  }
0x8c: {  	s14 =	sshll.u32 s0, $0xA;
	s2 =	sadd.s32 s3, s2  }
0x8d: {  	s2 =	sadd.s32 s2, s14  }
0x8e: {  	[smem:$0x3FC2] =	sst s2  }
0x8f: {  	_ = 	snop  }
0x90: {  	s2 =	sld [smem:$0x3FD0];
	_ =	sdelay $0x2  }
0x91: {  	s15 =	simm.s32 $0xA;
	s4 =	simm.s32 $0x10  }
0x92: {  	[smem:s4], [sflag:s15] =	dma.local [hbm:s2], $0x1  }
0x93: {  	_ =	swait.eq [sflag:s15], $0x1  }
0x94: {  	[sflag:s15] =	ssyncset.done $0x0  }
0x95: {  	s16 =	sld [smem:$0x10];
	[sflag:s15] =	ssyncadd.s32 $0xFFFFFFFF  }
0x96: {  	s17 =	sld [smem:$0x11];
	(tm) =	ssettm $0x1  }
0x97: {  	s18 =	sld [smem:$0x3FFB];
	_ =	sdelay $0x3  }
0x98: {  	_ =	strace s18  }
0x99: {  	s4 =	sld [smem:$0x3FFC];
	_ =	sdelay $0x3  }
0x9a: {  	_ =	strace s4  }
0x9b: {  	s4 =	sld [smem:$0x3FFD];
	_ =	sdelay $0x3  }
0x9c: {  	_ =	strace s4  }
0x9d: {  	_ =	strace $0x8FFFFFFF  }
0x9e: {  	s19 =	sld [smem:$0x3FDB];
	_ =	sdelay $0x1  }
0x9f: {  	s5 =	simm.s32 $_scs_section_size  }
0xa0: {  	s6 =	simm.s32 $_size__tile_overlayer_lowered;
	s7 =	simm.s32 $_tile_overlayer_lowered  }
0xa1: {  	s22 =	simm.s32 $0x1BFF;
	s21 =	sshll.u32 s7, $0x1;
	s4 =	sadd.s32 s5, s19  }
0xa2: {  	s8 =	simm.s32 $0x0;
	s20 =	sshll.u32 s6, $0x1;
	s6 =	sadd.s32 s21, s4  }
0xa3: {  	[timem:s8], [sflag:s22] =	dma.local [hbm:s6], s20  }
0xa4: {  	_ =	swait.ge [sflag:s22], s20  }
0xa5: {  	s5 =	ssub.s32 $0x0, s20;
	[sflag:s22] =	ssyncset.done $0x0  }
0xa6: {  	[sflag:s22] =	ssyncadd.s32 s5;
	_ =	sdelay $0x1  }
0xa7: {  	s23 =	simm.s32 $0x1B8B  }
0xa8: {  	_ =	swait.ge [sflag:s23], $0x1  }
0xa9: {  	[sflag:s23] =	ssyncset.done $0x0  }
0xaa: {  	s25 =	simm.s32 $0x1B8E;
	s24 =	sld [smem:$0x3FFE];
	[sflag:s23] =	ssyncadd.s32 $0xFFFFFFFF  }
0xab: {  	s26 =	simm.s32 $execute0_lowered;
	[smem:$0x3FD2] =	sst s25  }
0xac: {  	s6 =	sshll.u32 s26, $0x1;
	_ =	strace $0x80000046;
	[dreg:$0x1] =	wrdreg $0xFFFFFFFF  }
0xad: {  	s28 =	simm.s32 $_size_execute0_lowered;
	s4 =	sadd.s32 s4, s6;
	[dreg:$0x0] =	wrdreg $0x0  }
0xae: {  	s6 =	sshll.u32 s28, $0x1;
	[dreg:$0x2] =	wrdreg s4  }
0xaf: {  	[dreg:$0x3] =	wrdreg s6  }
0xb0: {  	[dreg:$0x4] =	wrdreg $0xC0  }
0xb1: {  	_ =	task [dreg:s8], $0x5FFFF  }
0xb2: {  	[dreg:$0x1] =	wrdreg $0xFFFFFFFF  }
0xb3: {  	[dreg:$0x0] =	wrdreg $0x60  }
0xb4: {  	[dreg:$0x2] =	wrdreg s24  }
0xb5: {  	[dreg:$0x3] =	wrdreg s16  }
0xb6: {  	[dreg:$0x4] =	wrdreg s17  }
0xb7: {  	[dreg:$0x5] =	wrdreg $0x9  }
0xb8: {  	_ =	task.clear_ibuf [dreg:s8], $0x6FFFF;
	_ =	strace $0x90000046  }
0xb9: {  	s29 =	simm.s32 $0x9;
	_ =	strace $0x80000048  }
0xba: {  	_ =	swait.ge [sflag:s29], $0x1  }
0xbb: {  	[sflag:s29] =	ssyncadd.s32 $0xFFFFFFFF  }
0xbc: {  	_ =	strace $0x90000048  }
0xbd: {  	_ =	sfence  }
0xbe: {  	s30 =	sld [smem:$0x0];
	_ =	sdelay $0x2  }
0xbf: {  	s31 =	sshll.u32 s1, $0xD;
	s1 =	sshrl.u32 s1, $0x2  }
0xc0: {  	s3 =	sand.u32 $0x4000, s31;
	s1 =	sadd.s32 s1, s30  }
0xc1: {  	s0 =	sor.u32 s3, s0;
	s1 =	sshll.u32 s1, $0x11  }
0xc2: {  	s0 =	sor.u32 s1, s0  }
0xc3: {  	s0 =	sadd.s32 $0x8F2B, s0  }
0xc4: {  	[sflag:s0] =	ssyncadd.remote.s32 $0x1  }
0xc5: {  	_ =	sfence.sel $0xFFFF  }
0xc6: {  	[dreg:$0x0] =	wrdreg $0xFFFFFFFF;
	(pc) =	sbr.abs _section_cstart, $3  }
0xc7: {  	[dreg:$0x1] =	wrdreg $0xFFFFFFFF  }
0xc8: {  	_ =	task.clear_ibuf [dreg:s8], $0x2FFFF;
	_ =	strace $0x9FFFFFFF  }
0xc9: {  	(tm) =	ssettm $0x7FFFFFFF  }
tec
execute0_lowered:
.L_overlay_start_1:
0x0: {  	(tag) =	ssettag $0x1  }
0x1: {  	s3 =	rddreg [dreg:$0x0]  }
0x2: {  	s4 =	rddreg [dreg:$0x1];
	s0 =	srdreg.scid  }
0x3: {  	s5 =	rddreg [dreg:$0x2];
	s1 =	stileid.u32;
	s2 =	simm.s32 $0x0  }
0x4: {  	s9 =	simm.s32 $0x1;
	s10 =	simm.s32 $0x4000;
	s11 =	simm.s32 $0x8000  }
0x5: {  	s12 =	simm.s32 $0x0;
	s6 =	sand.u32 $0x1, s0;
	s0 =	rddreg [dreg:$0x3]  }
0x6: {  	s7 =	sshll.u32 s1, $0x9;
	[smem:$0x7FF] =	sst s2;
	s8 =	sshll.u32 s6, $0x8  }
0x7: {  	s6 =	ssub.s32 $0x2, s6;
	_ =	strace $0x80000047;
	s7 =	sor.u32 s8, s7  }
0x8: {  	s31 =	sshrl.u32 s6, $0x1;
	s8 =	simm.s32 $0x10000;
	s3 =	sadd.s32 s7, s3  }
0x9: {  	s6 =	ssub.s32 s6, s31;
	s4 =	sadd.s32 s4, s7;
	s5 =	sadd.s32 s5, s7  }
0xa: {  	v0 =	vimm.f32 $0.0e+00;
	s7 =	simm.s32 $0x800;
	s3 =	sadd.s32 $0x1400, s3;
	s6 =	smax.u32 s6, $0x1  }
.LBB2_1:
0xb: {  	[tilespmem:s2], [sflag:$0x1] =	stream.strided.gather [hbm4b:s3+s7], $0x4000, s8, s7, $0x38;
	[tilespmem:$0xC000] =	vst v63  }
0xc: {  	_ =	swait.ge [sflag:s9], $0x4000  }
0xd: {  	[sflag:s9] =	ssyncset.done $0x0  }
0xe: {  	s13 =	simm.s32 $0x0;
	[sflag:s9] =	ssyncadd.s32 $0xFFFFC000  }
.LBB2_2:
0xf: {  	s14 =	sshll.u32 s13, $0x4  }
0x10: {  	s14 =	sand.u32 $0x70, s14  }
0x11: {  	v5 =	vmov s14  }
0x12: {  	s15 =	sshll.u32 s13, $0x7;
	s16 =	simm.s32 $0x0  }
0x13: {  	s15 =	sand.u32 $0x400, s15;
	s17 =	sand.u32 $0x3800, s16  }
0x14: {  	s18 =	sand.u32 $0x380, s16;
	s17 =	sor.u32 s17, s15  }
0x15: {  	s18 =	sadd.s32 s18, s17  }
0x16: {  	v8 =	vld.idx.msk [tilespmem:v5+s18+$0x0 ss:$0x1], $0xffff;
	_ =	sdelay $0x2  }
0x17: {  	s19 =	simm.s32 $0x100  }
0x18: {  	v2 =	vimm.f32 $-Inf;
	v3 =	vimm.s32 $0x40;
	s20 =	simm.s32 $0x80;
	v4 =	vimm.s32 $0x40;
	s31 =	sand.u32 $0x3800, s19  }
0x19: {  	v10 =	vimm.f32 $-Inf;
	v7 =	vimm.s32 $0x40;
	s21 =	sand.u32 $0x380, s20;
	s17 =	sor.u32 s31, s15;
	vm0 =	vgt.f32 v8, v2  }
0x1a: {  	v9 =	vimm.f32 $-Inf;
	s22 =	sadd.s32 s21, s17;
	v1 =	vsel vm0, s16, v3;
	v12 =	vsel vm0, v8, v2  }
0x1b: {  	s17 =	simm.s32 $0x1;
	s21 =	simm.s32 $0x2;
	v6 =	vld.idx.msk [tilespmem:v5+s22+$0x0 ss:$0x1], $0xffff;
	v11 =	vsel vm0, s16, v3;
	vm2 =	vmmov vm0;
	vm1 =	vmmov vm0  }
.LBB2_3:
0x1c: {  	p0 =	sne.s32 s21, $0x3F  }
0x1d: {  	v12 =	vsel vm0, v2, v12;
	v2 =	vsel vm0, v8, v2;
	v3 =	vsel vm2, s16, v3;
	s16 =	smov.u32 s17;
	s17 =	smov.u32 s21;
	s21 =	sadd.s32 $0x1, s21  }
0x1e: {  	v8 =	vsel vm2, v8, v10;
	v3 =	vsel vm1, v7, v3;
	v7 =	vsel vm0, v4, v11;
	v4 =	vmovc v1  }
.Ltmp0:
0x1f: {  	s19 =	sadd.s32 $0x100, s19;
	v10 =	vsel vm1, v9, v8;
	v9 =	vmov v12;
	(pc) =	sbr.rel @p0 .LBB2_3-.Ltmp0, $4  }
0x20: {  	s20 =	sadd.s32 $0x80, s20;
	s22 =	sand.u32 $0x3800, s19  }
0x21: {  	s23 =	sand.u32 $0x380, s20;
	s22 =	sor.u32 s22, s15  }
0x22: {  	s22 =	sadd.s32 s23, s22;
	vm0 =	vgt.f32 v6, v2;
	vm1 =	vgt.f32 v6, v12;
	vm2 =	vgt.f32 v6, v10;
	v8 =	vmovc v6  }
0x23: {  	v1 =	vsel vm0, s16, v1;
	v12 =	vsel vm1, v8, v12;
	v11 =	vsel vm1, s16, v7;
	v6 =	vld.idx.msk [tilespmem:v5+s22+$0x0 ss:$0x1], $0xffff  }
0x24: {  	_ =	sdelay $0x3  }
0x25: {  	v13 =	vld.idx.msk [tilespmem:v5+s18+$0x0 ss:$0x1], $0xffff;
	_ =	sdelay $0x1  }
0x26: {  	s19 =	simm.s32 $0x100;
	v14 =	vsel vm0, v8, v2  }
0x27: {  	s20 =	simm.s32 $0x80;
	s19 =	sand.u32 $0x3800, s19;
	vm13 =	vgt.f32 v6, v14  }
0x28: {  	v2 =	vsel vm0, v2, v12;
	v11 =	vsel vm0, v4, v11;
	s28 =	sand.u32 $0x380, s20;
	s19 =	sor.u32 s19, s15;
	v4 =	vsel vm13, v6, v14  }
0x29: {  	v8 =	vsel vm2, v8, v10;
	s18 =	sadd.s32 s28, s19;
	vm14 =	vgt.f32 v6, v2;
	v2 =	vsub.f32 v13, v4  }
0x2a: {  	v8 =	vsel vm1, v9, v8;
	v15 =	vld.idx.msk [tilespmem:v5+s18+$0x0 ss:$0x1], $0xffff  }
0x2b: {  	vm15 =	vgt.f32 v6, v8;
	v8 =	vmul.f32 $1.442695020e+00, v2  }
0x2c: {  	s29 =	simm.s32 $0x200  }
0x2d: {  	v3 =	vsel vm2, s16, v3;
	s30 =	simm.s32 $0x100;
	s16 =	sand.u32 $0x3800, s29;
	(erf) = vpow2.f32 v8  }
0x2e: {  	v3 =	vsel vm1, v7, v3;
	s16 =	sor.u32 s16, s15;
	s18 =	sand.u32 $0x380, s30  }
0x2f: {  	v6 =	vsel vm14, s17, v11;
	v7 =	vsel vm15, s17, v3;
	s31 =	sadd.s32 s18, s16;
	v9 =	vsub.f32 v15, v4  }
0x30: {  	v3 =	vsel vm13, s17, v1;
	v2 =	vsel vm13, v1, v6;
	v1 =	vsel vm14, v11, v7;
	v7 =	vld.idx.msk [tilespmem:v5+s31+$0x0 ss:$0x1], $0xffff  }
0x31: {  	s16 =	simm.s32 $0x300;
	s17 =	simm.s32 $0x180;
	v6 =	vimm.f32 $0.0e+00;
	v8 =	vmul.f32 $1.442695020e+00, v9  }
.LBB2_5:
0x32: {  	s18 =	sand.u32 $0x3800, s16;
	p0 =	sne.s32 s16, $0x3F00;
	s16 =	sadd.s32 $0x100, s16  }
.Ltmp1:
0x33: {  	s19 =	sand.u32 $0x380, s17;
	s18 =	sor.u32 s18, s15;
	(erf) = vpow2.f32 v8;
	(pc) =	sbr.rel @p0 .LBB2_5-.Ltmp1, $4  }
0x34: {  	s18 =	sadd.s32 s19, s18  }
0x35: {  	v8 =	vsub.f32 v7, v4;
	v7 =	vld.idx.msk [tilespmem:v5+s18+$0x0 ss:$0x1], $0xffff  }
0x36: {  	v9 =	vpop (erf)  }
0x37: {  	s17 =	sadd.s32 $0x80, s17;
	v8 =	vmul.f32 $1.442695020e+00, v8;
	v6 =	vadd.f32 v9, v6  }
0x38: {  	_ =	sdelay $0x1  }
0x39: {  	v5 =	vsub.f32 v7, v4;
	_ =	sdelay $0x1  }
0x3a: {  	(erf) = vpow2.f32 v8;
	v5 =	vmul.f32 $1.442695020e+00, v5;
	_ =	sdelay $0x1  }
0x3b: {  	(erf) = vpow2.f32 v5  }
0x3c: {  	s19 =	simm.s32 $0x0  }
0x3d: {  	s16 =	sand.u32 $0x3800, s19;
	s18 =	sand.u32 $0x380, s19  }
0x3e: {  	s17 =	sor.u32 s14, s15;
	s25 =	sor.u32 s18, s16  }
0x3f: {  	s14 =	sor.u32 s17, s25  }
0x40: {  	v7 =	vpop (erf);
	v5 =	vld [tilespmem:s14+$0x0]  }
0x41: {  	v6 =	vadd.f32 v7, v6  }
0x42: {  	v7 =	vpop (erf)  }
0x43: {  	s26 =	simm.s32 $0x100;
	s28 =	simm.s32 $0x80;
	v6 =	vadd.f32 v7, v6  }
0x44: {  	s15 =	sand.u32 $0x3800, s26;
	s16 =	sand.u32 $0x380, s28;
	v7 =	vpop (erf)  }
0x45: {  	s15 =	sor.u32 s16, s15;
	v5 =	vsub.f32 v5, v4;
	v6 =	vadd.f32 v7, v6  }
0x46: {  	s15 =	sor.u32 s17, s15  }
0x47: {  	v5 =	vmul.f32 $1.442695020e+00, v5;
	(erf) = vrcp.f32 v6;
	v6 =	vld [tilespmem:s15+$0x0]  }
0x48: {  	s29 =	simm.s32 $0x200;
	s30 =	simm.s32 $0x100  }
0x49: {  	s18 =	sand.u32 $0x380, s30;
	s16 =	sand.u32 $0x3800, s29;
	(erf) = vpow2.f32 v5  }
0x4a: {  	s16 =	sor.u32 s18, s16  }
0x4b: {  	s18 =	sor.u32 s17, s16  }
0x4c: {  	v7 =	vld [tilespmem:s18+$0x0];
	v5 =	vsub.f32 v6, v4;
	_ =	sdelay $0x1  }
0x4d: {  	v6 =	vmul.f32 $1.442695020e+00, v5  }
0x4e: {  	s31 =	simm.s32 $0x300;
	s22 =	simm.s32 $0x180  }
0x4f: {  	s20 =	sand.u32 $0x380, s22;
	s16 =	sand.u32 $0x3800, s31;
	v5 =	vpop (erf);
	(erf) = vpow2.f32 v6  }
0x50: {  	s16 =	sor.u32 s20, s16;
	v7 =	vsub.f32 v7, v4  }
0x51: {  	s21 =	simm.s32 $0x1;
	s23 =	simm.s32 $0x4;
	vm1 =	veq.s32 v3, s19;
	vm2 =	veq.s32 v2, s19;
	vm0 =	veq.s32 v1, s19;
	s16 =	sor.u32 s17, s16;
	v9 =	vpop (erf)  }
0x52: {  	s24 =	simm.s32 $0x400;
	s19 =	simm.s32 $0x3;
	vm1 =	vmor vm1, vm2;
	s20 =	simm.s32 $0x2;
	v8 =	vmul.f32 $1.442695020e+00, v7;
	v6 =	vld [tilespmem:s16+$0x0];
	v7 =	vmul.f32 v9, v5  }
.LBB2_7:
0x53: {  	s25 =	sand.u32 $0x3800, s24  }
0x54: {  	s22 =	sadd.s32 $0x80, s22;
	vm0 =	vmor vm0, vm1;
	s26 =	smov.u32 s23;
	p0 =	sne.s32 s23, $0x3F  }
.Ltmp2:
0x55: {  	s23 =	sadd.s32 $0x1, s23;
	s28 =	sand.u32 $0x380, s22;
	(erf) = vpow2.f32 v8;
	v7 =	vnsel vm0, $0x0, v7;
	v8 =	vsel vm0, $0x3F800000, v0;
	(pc) =	sbr.rel @p0 .LBB2_7-.Ltmp2, $4  }
0x56: {  	s25 =	sor.u32 s28, s25;
	[tilespmem:s14+$0x4000] =	vst v7  }
0x57: {  	s25 =	sor.u32 s17, s25;
	v7 =	vsub.f32 v6, v4;
	[tilespmem:s14+$0x8000] =	vst v8;
	s14 =	smov.u32 s15;
	s15 =	smov.u32 s18  }
0x58: {  	vm1 =	veq.s32 v3, s21;
	vm2 =	veq.s32 v2, s21;
	vm0 =	veq.s32 v1, s21;
	s21 =	smov.u32 s20;
	s20 =	smov.u32 s19;
	s19 =	smov.u32 s26;
	v6 =	vld [tilespmem:s25+$0x0];
	v9 =	vpop (erf)  }
0x59: {  	s24 =	sadd.s32 $0x100, s24;
	vm1 =	vmor vm1, vm2;
	s18 =	smov.u32 s16;
	s16 =	smov.u32 s25;
	v8 =	vmul.f32 $1.442695020e+00, v7;
	v7 =	vmul.f32 v9, v5  }
0x5a: {  	_ =	sdelay $0x2  }
0x5b: {  	v4 =	vsub.f32 v6, v4  }
0x5c: {  	(erf) = vpow2.f32 v8  }
0x5d: {  	v4 =	vmul.f32 $1.442695020e+00, v4;
	_ =	sdelay $0x1  }
0x5e: {  	(erf) = vpow2.f32 v4;
	_ =	sdelay $0x1  }
0x5f: {  	vm0 =	vmor vm0, vm1  }
0x60: {  	vm6 =	veq.s32 v3, s21;
	vm7 =	veq.s32 v2, s21;
	vm2 =	veq.s32 v1, s21  }
0x61: {  	vm8 =	veq.s32 v3, s20;
	vm9 =	veq.s32 v2, s20;
	vm10 =	veq.s32 v1, s20  }
0x62: {  	v59 =	vnsel vm0, $0x0, v7;
	v61 =	vsel vm0, $0x3F800000, v0;
	vm0 =	vmor vm6, vm7;
	v60 =	vpop (erf)  }
0x63: {  	vm12 =	veq.s32 v3, s19;
	vm0 =	vmor vm2, vm0;
	[tilespmem:s14+$0x4000] =	vst v59;
	v6 =	vmul.f32 v60, v5;
	v8 =	vpop (erf)  }
0x64: {  	s13 =	sadd.s32 $0x1, s13;
	vm1 =	vmor vm8, vm9;
	[tilespmem:s14+$0x8000] =	vst v61;
	v63 =	vsel vm0, $0x3F800000, v0;
	v62 =	vmul.f32 v8, v5  }
0x65: {  	vm13 =	veq.s32 v2, s19;
	p0 =	sne.s32 s13, $0x10;
	vm11 =	vmor vm10, vm1;
	[tilespmem:s15+$0x8000] =	vst v63;
	v6 =	vnsel vm0, $0x0, v6  }
.Ltmp3:
0x66: {  	vm14 =	veq.s32 v1, s19;
	vm1 =	vmor vm12, vm13;
	[tilespmem:s15+$0x4000] =	vst v6;
	v4 =	vnsel vm11, $0x0, v62;
	v2 =	vpop (erf);
	(pc) =	sbr.rel @p0 .LBB2_2-.Ltmp3, $4  }
0x67: {  	vm15 =	vmor vm14, vm1;
	[tilespmem:s18+$0x4000] =	vst v4;
	v1 =	vmul.f32 v2, v5;
	v2 =	vsel vm11, $0x3F800000, v0  }
0x68: {  	[tilespmem:s18+$0x8000] =	vst v2;
	v2 =	vsel vm15, $0x3F800000, v0  }
0x69: {  	v1 =	vnsel vm15, $0x0, v1;
	[tilespmem:s16+$0x8000] =	vst v2  }
0x6a: {  	[tilespmem:s16+$0x4000] =	vst v1  }
0x6b: {  	[hbm4b:s4+s7] =	stream.strided.scatter [tilespmem:s10], [sflag:$0x1], $0x4000, s8, s7, $0x38;
	[tilespmem:$0xC000] =	vst v63  }
0x6c: {  	s12 =	sadd.s32 $0x1, s12;
	_ =	swait.ge [sflag:s9], $0x4000  }
0x6d: {  	p0 =	sne.s32 s12, s6;
	[sflag:s9] =	ssyncset.done $0x0  }
.Ltmp4:
0x6e: {  	[sflag:s9] =	ssyncadd.s32 $0xFFFFC000;
	(pc) =	sbr.rel @p0 .LBB2_1-.Ltmp4, $4  }
0x6f: {  	[hbm4b:s5+s7] =	stream.strided.scatter [tilespmem:s11], [sflag:$0x1], $0x4000, s8, s7, $0x38;
	[tilespmem:$0xC000] =	vst v63  }
0x70: {  	_ =	swait.ge [sflag:s9], $0x4000  }
0x71: {  	[sflag:s9] =	ssyncset.done $0x0  }
0x72: {  	[sflag:s9] =	ssyncadd.s32 $0xFFFFC000  }
0x73: {  	_ =	sfence.sel $0x180000  }
0x74: {  	[bflag:$0x0] =	sbarrier.arrive $0xFFFF  }
0x75: {  	p0 =	sne.s32 s1, $0x0;
	_ =	strace $0x90000047  }
0x76: {  	s0 =	sadd.s32 @!p0 $0x100000, s0;
	[bflag:$0x2] =	sbarrier.arrive $0xFFFF  }
0x77: {  	[sflag:s0] =	ssyncadd.tile.s32 @!p0 $0x1;
	_ =	shalt  }
.Lfunc_end2:
_tile_overlayer_lowered:
.L_overlay_start_2:
0x78: {  	(tag) =	ssettag $0x2  }
0x79: {  	s0 =	rddreg [dreg:$0x0];
	s2 =	stileid.u32  }
0x7a: {  	s1 =	rddreg [dreg:$0x1];
	p0 =	sne.s32 s2, $0x0  }
0x7b: {  	s3 =	rddreg [dreg:$0x2];
	[bflag:$0x3] =	sbarrier.arrive $0xFFFF;
	s2 =	simm.s32 @!p0 $0x1C01  }
0x7c: {  	[timem:s3], [sflag:s2] =	dma.local @!p0 [hbm:s0], s1  }
0x7d: {  	s0 =	simm.s32 @!p0 $0x1  }
0x7e: {  	_ =	swait.ge @!p0 [sflag:s0], s1  }
0x7f: {  	s1 =	ssub.s32 @!p0 $0x0, s1;
	[sflag:s0] =	ssyncset.done @!p0 $0x0  }
0x80: {  	[sflag:s0] =	ssyncadd.s32 @!p0 s1  }
0x81: {  	[bflag:$0x3] =	sbarrier.arrive $0xFFFF  }
0x82: {  	_ =	shalt  }

</sc_bundles>
